<compile_context>
chip_gen: v7x
topology: tpu7x:2x2x1
jax: 0.10.2.dev20260603
libtpu: 0.0.44.dev20260713+nightly
codegen_flags: <defaults>
</compile_context>

<pallas_src>
import jax
import jax.numpy as jnp
from jax.experimental import pallas as pl
from jax.experimental.pallas import tpu as pltpu
from jax.experimental.pallas import tpu_sc as plsc

_ROWS = 8


def _sc_gather(t_hbm, sac_hbm, somac_hbm, c1_hbm, c2_hbm,
               t_s, sac_s, somac_s, c1_s, c2_s, sem):
    idx = jax.lax.axis_index("core")

    @pl.when(idx == 0)
    def _():
        pltpu.async_copy(t_hbm, t_s, sem).wait()
        pltpu.async_copy(sac_hbm, sac_s, sem).wait()
        pltpu.async_copy(somac_hbm, somac_s, sem).wait()

        @pl.loop(0, t_s.shape[0])
        def _(i):
            ti = t_s[i]
            c1_s[i] = sac_s[ti]
            c2_s[i] = somac_s[ti]

        pltpu.async_copy(c1_s, c1_hbm, sem).wait()
        pltpu.async_copy(c2_s, c2_hbm, sem).wait()


def _gather_coeffs(t, sac, somac):
    B = t.shape[0]
    S = sac.shape[0]
    mesh = plsc.ScalarSubcoreMesh(axis_name="core", num_cores=2)
    f = pl.kernel(
        _sc_gather,
        out_type=(
            jax.ShapeDtypeStruct((B,), jnp.float32),
            jax.ShapeDtypeStruct((B,), jnp.float32),
        ),
        mesh=mesh,
        scratch_types=[
            pltpu.SMEM((B,), jnp.int32),
            pltpu.SMEM((S,), jnp.float32),
            pltpu.SMEM((S,), jnp.float32),
            pltpu.SMEM((B,), jnp.float32),
            pltpu.SMEM((B,), jnp.float32),
            pltpu.SemaphoreType.DMA,
        ],
    )
    return f(t, sac, somac)


def _body(c1_ref, c2_ref, x_ref, n_ref, o_ref):
    i = pl.program_id(0)
    for r in range(_ROWS):
        c1 = c1_ref[i * _ROWS + r]
        c2 = c2_ref[i * _ROWS + r]
        o_ref[r, :, :] = c1 * x_ref[r, :, :] + c2 * n_ref[r, :, :]


def kernel(data_start, t, noise, sqrt_alphas_cumprod, sqrt_one_minus_alphas_cumprod):
    B, N, D = data_start.shape
    xt = jnp.transpose(data_start, (0, 2, 1))
    nt = jnp.transpose(noise, (0, 2, 1))

    c1, c2 = _gather_coeffs(t, sqrt_alphas_cumprod, sqrt_one_minus_alphas_cumprod)

    grid_spec = pltpu.PrefetchScalarGridSpec(
        num_scalar_prefetch=2,
        grid=(B // _ROWS,),
        in_specs=[
            pl.BlockSpec((_ROWS, D, N), lambda i, *_: (i, 0, 0)),
            pl.BlockSpec((_ROWS, D, N), lambda i, *_: (i, 0, 0)),
        ],
        out_specs=pl.BlockSpec((_ROWS, D, N), lambda i, *_: (i, 0, 0)),
    )

    out_t = pl.pallas_call(
        _body,
        grid_spec=grid_spec,
        out_shape=jax.ShapeDtypeStruct((B, D, N), jnp.float32),
    )(c1, c2, xt, nt)
    return jnp.transpose(out_t, (0, 2, 1))

# --- scband reference (transcript-rebuilt; emitter-appended) ---
"""Pipeline reference for scband-gaussian-diffusion-5188320494483 (READ-ONLY COPY).

The authoritative reference and input builder live on the scoring server;
editing this copy changes nothing except your own understanding.
"""

import jax, jax.numpy as jnp
import numpy as np

NUM_STEPS = 1000

def _make_tables():
    beta_start = 1000.0 / NUM_STEPS * 0.0001
    beta_end = 1000.0 / NUM_STEPS * 0.02
    betas = np.linspace(beta_start, beta_end, NUM_STEPS).astype(np.float64)
    alphas_cumprod = np.cumprod(1.0 - betas, axis=0)
    sqrt_alphas_cumprod = jnp.asarray(np.sqrt(alphas_cumprod), dtype=jnp.float32)
    sqrt_one_minus_alphas_cumprod = jnp.asarray(np.sqrt(1.0 - alphas_cumprod), dtype=jnp.float32)
    return sqrt_alphas_cumprod, sqrt_one_minus_alphas_cumprod

def setup_inputs(seed: int = 0) -> dict:
    key = jax.random.key(seed)
    k1, k2, k3 = jax.random.split(key, 3)
    B, N, D = 64, 4096, 32
    sac, somac = _make_tables()
    return {
        "data_start": jax.random.normal(k1, (B, N, D), dtype=jnp.float32),
        "t": jax.random.randint(k2, (B,), 0, NUM_STEPS, dtype=jnp.int32),
        "noise": jax.random.normal(k3, (B, N, D), dtype=jnp.float32),
        "sqrt_alphas_cumprod": sac,
        "sqrt_one_minus_alphas_cumprod": somac,
    }

def _extract(a, t, x_shape):
    bs = t.shape[0]
    out = jnp.take(a, t, axis=0)
    return jnp.reshape(out, (bs,) + (1,) * (len(x_shape) - 1))

def reference(data_start, t, noise, sqrt_alphas_cumprod, sqrt_one_minus_alphas_cumprod):
    c1 = _extract(sqrt_alphas_cumprod, t, data_start.shape)
    c2 = _extract(sqrt_one_minus_alphas_cumprod, t, data_start.shape)
    return c1 * data_start + c2 * noise

if __name__ == "__main__":
    import jax
    _d = setup_inputs()
    print(jax.jit(kernel)(*tuple(_d.values())))

</pallas_src>

<mosaic_0001>
#map = affine_map<(d0) -> (0)>
module attributes {stable_mosaic.version = 14 : i64} {
  func.func @_sc_gather(%arg0: i32, %arg1: memref<64xi32, #tpu.memory_space<hbm>>, %arg2: memref<1000xf32, #tpu.memory_space<hbm>>, %arg3: memref<1000xf32, #tpu.memory_space<hbm>>, %arg4: memref<64xf32, #tpu.memory_space<hbm>>, %arg5: memref<64xf32, #tpu.memory_space<hbm>>, %arg6: memref<64xi32, #tpu.memory_space<smem>>, %arg7: memref<1000xf32, #tpu.memory_space<smem>>, %arg8: memref<1000xf32, #tpu.memory_space<smem>>, %arg9: memref<64xf32, #tpu.memory_space<smem>>, %arg10: memref<64xf32, #tpu.memory_space<smem>>, %arg11: memref<!tpu.dma_semaphore, #tpu.memory_space<semaphore_mem>>) attributes {dimension_semantics = [#tpu.dimension_semantics<core_parallel>], iteration_bounds = array<i64: 2>, scalar_prefetch = 0 : i64, scratch_operands = 6 : i64, tpu.core_type = #tpu.core_type<sc_scalar_subcore>, window_params = [{transform_indices = #map}, {transform_indices = #map}, {transform_indices = #map}, {transform_indices = #map}, {transform_indices = #map}]} {
    %eq3A = arith.constant 0 : i32
    %eq3A_0 = arith.cmpi eq, %arg0, %eq3A : i32
    %convert_element_type3A = arith.extui %eq3A_0 : i1 to i32
    %cond3A = arith.constant 0 : i32
    %cond3A_1 = arith.cmpi ne, %convert_element_type3A, %cond3A : i32
    scf.if %cond3A_1 {
      tpu.enqueue_dma source(%arg1 : memref<64xi32, #tpu.memory_space<hbm>>) target(%arg6 : memref<64xi32, #tpu.memory_space<smem>>) target_semaphore(%arg11 : memref<!tpu.dma_semaphore, #tpu.memory_space<semaphore_mem>>)
      tpu.wait_dma2 semaphore(%arg11 : memref<!tpu.dma_semaphore, #tpu.memory_space<semaphore_mem>>) src(%arg1 : memref<64xi32, #tpu.memory_space<hbm>>) dst(%arg6 : memref<64xi32, #tpu.memory_space<smem>>)
      tpu.enqueue_dma source(%arg2 : memref<1000xf32, #tpu.memory_space<hbm>>) target(%arg7 : memref<1000xf32, #tpu.memory_space<smem>>) target_semaphore(%arg11 : memref<!tpu.dma_semaphore, #tpu.memory_space<semaphore_mem>>)
      tpu.wait_dma2 semaphore(%arg11 : memref<!tpu.dma_semaphore, #tpu.memory_space<semaphore_mem>>) src(%arg2 : memref<1000xf32, #tpu.memory_space<hbm>>) dst(%arg7 : memref<1000xf32, #tpu.memory_space<smem>>)
      tpu.enqueue_dma source(%arg3 : memref<1000xf32, #tpu.memory_space<hbm>>) target(%arg8 : memref<1000xf32, #tpu.memory_space<smem>>) target_semaphore(%arg11 : memref<!tpu.dma_semaphore, #tpu.memory_space<semaphore_mem>>)
      tpu.wait_dma2 semaphore(%arg11 : memref<!tpu.dma_semaphore, #tpu.memory_space<semaphore_mem>>) src(%arg3 : memref<1000xf32, #tpu.memory_space<hbm>>) dst(%arg8 : memref<1000xf32, #tpu.memory_space<smem>>)
      %scan3A = arith.constant 0 : i32
      %scan3A_2 = arith.constant 64 : i32
      %scan3A_3 = arith.addi %scan3A, %scan3A_2 : i32
      %scan3A_4 = arith.constant 1 : i32
      scf.for %scan3A_6 = %scan3A to %scan3A_3 step %scan3A_4  : i32 {
        %mul3A = arith.constant 1 : i32
        %mul3A_7 = arith.muli %scan3A_6, %mul3A : i32
        %add3A = arith.constant 0 : i32
        %add3A_8 = arith.addi %add3A, %mul3A_7 : i32
        %get3A = arith.index_cast %add3A_8 : i32 to index
        %get3A_9 = memref.load %arg6[%get3A] : memref<64xi32, #tpu.memory_space<smem>>
        %get3A_10 = arith.index_cast %get3A_9 : i32 to index
        %get3A_11 = memref.load %arg7[%get3A_10] : memref<1000xf32, #tpu.memory_space<smem>>
        %swap3A = arith.index_cast %add3A_8 : i32 to index
        %swap3A_12 = memref.load %arg9[%swap3A] : memref<64xf32, #tpu.memory_space<smem>>
        memref.store %get3A_11, %arg9[%swap3A] : memref<64xf32, #tpu.memory_space<smem>>
        %get3A_13 = arith.index_cast %get3A_9 : i32 to index
        %get3A_14 = memref.load %arg8[%get3A_13] : memref<1000xf32, #tpu.memory_space<smem>>
        %swap3A_15 = arith.index_cast %add3A_8 : i32 to index
        %swap3A_16 = memref.load %arg10[%swap3A_15] : memref<64xf32, #tpu.memory_space<smem>>
        memref.store %get3A_14, %arg10[%swap3A_15] : memref<64xf32, #tpu.memory_space<smem>>
      }
      %scan3A_5 = arith.constant 64 : i32
      tpu.enqueue_dma source(%arg9 : memref<64xf32, #tpu.memory_space<smem>>) target(%arg4 : memref<64xf32, #tpu.memory_space<hbm>>) target_semaphore(%arg11 : memref<!tpu.dma_semaphore, #tpu.memory_space<semaphore_mem>>)
      tpu.wait_dma2 semaphore(%arg11 : memref<!tpu.dma_semaphore, #tpu.memory_space<semaphore_mem>>) src(%arg9 : memref<64xf32, #tpu.memory_space<smem>>) dst(%arg4 : memref<64xf32, #tpu.memory_space<hbm>>)
      tpu.enqueue_dma source(%arg10 : memref<64xf32, #tpu.memory_space<smem>>) target(%arg5 : memref<64xf32, #tpu.memory_space<hbm>>) target_semaphore(%arg11 : memref<!tpu.dma_semaphore, #tpu.memory_space<semaphore_mem>>)
      tpu.wait_dma2 semaphore(%arg11 : memref<!tpu.dma_semaphore, #tpu.memory_space<semaphore_mem>>) src(%arg10 : memref<64xf32, #tpu.memory_space<smem>>) dst(%arg5 : memref<64xf32, #tpu.memory_space<hbm>>)
    } else {
    }
    return
  }
}

module attributes {stable_mosaic.version = 14 : i64} {
  func.func @_body(%arg0: i32, %arg1: memref<64xf32, #tpu.memory_space<smem>>, %arg2: memref<64xf32, #tpu.memory_space<smem>>, %arg3: memref<8x32x4096xf32, #tpu.memory_space<vmem>>, %arg4: memref<8x32x4096xf32, #tpu.memory_space<vmem>>, %arg5: memref<8x32x4096xf32, #tpu.memory_space<vmem>>) attributes {dimension_semantics = [#tpu.dimension_semantics<arbitrary>], iteration_bounds = array<i64: 8>, scalar_prefetch = 2 : i64, scratch_operands = 0 : i64, tpu.core_type = #tpu.core_type<tc>, window_params = [{transform_indices = @transform_0, window_bounds = array<i64: 8, 32, 4096>}, {transform_indices = @transform_1, window_bounds = array<i64: 8, 32, 4096>}, {transform_indices = @transform_2, window_bounds = array<i64: 8, 32, 4096>}]} {
    %mul3A = arith.constant 8 : i32
    %mul3A_0 = arith.muli %arg0, %mul3A : i32
    %add3A = arith.constant 0 : i32
    %add3A_1 = arith.addi %mul3A_0, %add3A : i32
    %get3A = arith.index_cast %add3A_1 : i32 to index
    %get3A_2 = memref.load %arg1[%get3A] : memref<64xf32, #tpu.memory_space<smem>>
    %mul3A_3 = arith.constant 8 : i32
    %mul3A_4 = arith.muli %arg0, %mul3A_3 : i32
    %add3A_5 = arith.constant 0 : i32
    %add3A_6 = arith.addi %mul3A_4, %add3A_5 : i32
    %get3A_7 = arith.index_cast %add3A_6 : i32 to index
    %get3A_8 = memref.load %arg2[%get3A_7] : memref<64xf32, #tpu.memory_space<smem>>
    %get3A_9 = arith.constant 0 : index
    %get3A_10 = arith.constant 0 : index
    %get3A_11 = arith.constant 0 : index
    %get3A_12 = vector.load %arg3[%get3A_9, %get3A_10, %get3A_11] : memref<8x32x4096xf32, #tpu.memory_space<vmem>>, vector<1x32x4096xf32>
    %get3A_13 = vector.shape_cast %get3A_12 : vector<1x32x4096xf32> to vector<32x4096xf32>
    %mul3A_14 = vector.broadcast %get3A_2 : f32 to vector<32x4096xf32>
    %mul3A_15 = arith.mulf %mul3A_14, %get3A_13 : vector<32x4096xf32>
    %get3A_16 = arith.constant 0 : index
    %get3A_17 = arith.constant 0 : index
    %get3A_18 = arith.constant 0 : index
    %get3A_19 = vector.load %arg4[%get3A_16, %get3A_17, %get3A_18] : memref<8x32x4096xf32, #tpu.memory_space<vmem>>, vector<1x32x4096xf32>
    %get3A_20 = vector.shape_cast %get3A_19 : vector<1x32x4096xf32> to vector<32x4096xf32>
    %mul3A_21 = vector.broadcast %get3A_8 : f32 to vector<32x4096xf32>
    %mul3A_22 = arith.mulf %mul3A_21, %get3A_20 : vector<32x4096xf32>
    %add3A_23 = arith.addf %mul3A_15, %mul3A_22 : vector<32x4096xf32>
    %swap3A = arith.constant 0 : index
    %swap3A_24 = arith.constant 0 : index
    %swap3A_25 = arith.constant 0 : index
    %swap3A_26 = vector.load %arg5[%swap3A, %swap3A_24, %swap3A_25] : memref<8x32x4096xf32, #tpu.memory_space<vmem>>, vector<1x32x4096xf32>
    %swap3A_27 = vector.shape_cast %swap3A_26 : vector<1x32x4096xf32> to vector<32x4096xf32>
    %swap3A_28 = vector.shape_cast %add3A_23 : vector<32x4096xf32> to vector<1x32x4096xf32>
    tpu.vector_store %arg5[%swap3A, %swap3A_24, %swap3A_25], %swap3A_28 {strides = array<i32>} : memref<8x32x4096xf32, #tpu.memory_space<vmem>>, vector<1x32x4096xf32>,
    %mul3A_29 = arith.constant 8 : i32
    %mul3A_30 = arith.muli %arg0, %mul3A_29 : i32
    %add3A_31 = arith.constant 1 : i32
    %add3A_32 = arith.addi %mul3A_30, %add3A_31 : i32
    %get3A_33 = arith.index_cast %add3A_32 : i32 to index
    %get3A_34 = memref.load %arg1[%get3A_33] : memref<64xf32, #tpu.memory_space<smem>>
    %mul3A_35 = arith.constant 8 : i32
    %mul3A_36 = arith.muli %arg0, %mul3A_35 : i32
    %add3A_37 = arith.constant 1 : i32
    %add3A_38 = arith.addi %mul3A_36, %add3A_37 : i32
    %get3A_39 = arith.index_cast %add3A_38 : i32 to index
    %get3A_40 = memref.load %arg2[%get3A_39] : memref<64xf32, #tpu.memory_space<smem>>
    %get3A_41 = arith.constant 1 : index
    %get3A_42 = arith.constant 0 : index
    %get3A_43 = arith.constant 0 : index
    %get3A_44 = vector.load %arg3[%get3A_41, %get3A_42, %get3A_43] : memref<8x32x4096xf32, #tpu.memory_space<vmem>>, vector<1x32x4096xf32>
    %get3A_45 = vector.shape_cast %get3A_44 : vector<1x32x4096xf32> to vector<32x4096xf32>
    %mul3A_46 = vector.broadcast %get3A_34 : f32 to vector<32x4096xf32>
    %mul3A_47 = arith.mulf %mul3A_46, %get3A_45 : vector<32x4096xf32>
    %get3A_48 = arith.constant 1 : index
    %get3A_49 = arith.constant 0 : index
    %get3A_50 = arith.constant 0 : index
    %get3A_51 = vector.load %arg4[%get3A_48, %get3A_49, %get3A_50] : memref<8x32x4096xf32, #tpu.memory_space<vmem>>, vector<1x32x4096xf32>
    %get3A_52 = vector.shape_cast %get3A_51 : vector<1x32x4096xf32> to vector<32x4096xf32>
    %mul3A_53 = vector.broadcast %get3A_40 : f32 to vector<32x4096xf32>
    %mul3A_54 = arith.mulf %mul3A_53, %get3A_52 : vector<32x4096xf32>
    %add3A_55 = arith.addf %mul3A_47, %mul3A_54 : vector<32x4096xf32>
    %swap3A_56 = arith.constant 1 : index
    %swap3A_57 = arith.constant 0 : index
    %swap3A_58 = arith.constant 0 : index
    %swap3A_59 = vector.load %arg5[%swap3A_56, %swap3A_57, %swap3A_58] : memref<8x32x4096xf32, #tpu.memory_space<vmem>>, vector<1x32x4096xf32>
    %swap3A_60 = vector.shape_cast %swap3A_59 : vector<1x32x4096xf32> to vector<32x4096xf32>
    %swap3A_61 = vector.shape_cast %add3A_55 : vector<32x4096xf32> to vector<1x32x4096xf32>
    tpu.vector_store %arg5[%swap3A_56, %swap3A_57, %swap3A_58], %swap3A_61 {strides = array<i32>} : memref<8x32x4096xf32, #tpu.memory_space<vmem>>, vector<1x32x4096xf32>,
    %mul3A_62 = arith.constant 8 : i32
    %mul3A_63 = arith.muli %arg0, %mul3A_62 : i32
    %add3A_64 = arith.constant 2 : i32
    %add3A_65 = arith.addi %mul3A_63, %add3A_64 : i32
    %get3A_66 = arith.index_cast %add3A_65 : i32 to index
    %get3A_67 = memref.load %arg1[%get3A_66] : memref<64xf32, #tpu.memory_space<smem>>
    %mul3A_68 = arith.constant 8 : i32
    %mul3A_69 = arith.muli %arg0, %mul3A_68 : i32
    %add3A_70 = arith.constant 2 : i32
    %add3A_71 = arith.addi %mul3A_69, %add3A_70 : i32
    %get3A_72 = arith.index_cast %add3A_71 : i32 to index
    %get3A_73 = memref.load %arg2[%get3A_72] : memref<64xf32, #tpu.memory_space<smem>>
    %get3A_74 = arith.constant 2 : index
    %get3A_75 = arith.constant 0 : index
    %get3A_76 = arith.constant 0 : index
    %get3A_77 = vector.load %arg3[%get3A_74, %get3A_75, %get3A_76] : memref<8x32x4096xf32, #tpu.memory_space<vmem>>, vector<1x32x4096xf32>
    %get3A_78 = vector.shape_cast %get3A_77 : vector<1x32x4096xf32> to vector<32x4096xf32>
    %mul3A_79 = vector.broadcast %get3A_67 : f32 to vector<32x4096xf32>
    %mul3A_80 = arith.mulf %mul3A_79, %get3A_78 : vector<32x4096xf32>
    %get3A_81 = arith.constant 2 : index
    %get3A_82 = arith.constant 0 : index
    %get3A_83 = arith.constant 0 : index
    %get3A_84 = vector.load %arg4[%get3A_81, %get3A_82, %get3A_83] : memref<8x32x4096xf32, #tpu.memory_space<vmem>>, vector<1x32x4096xf32>
    %get3A_85 = vector.shape_cast %get3A_84 : vector<1x32x4096xf32> to vector<32x4096xf32>
    %mul3A_86 = vector.broadcast %get3A_73 : f32 to vector<32x4096xf32>
    %mul3A_87 = arith.mulf %mul3A_86, %get3A_85 : vector<32x4096xf32>
    %add3A_88 = arith.addf %mul3A_80, %mul3A_87 : vector<32x4096xf32>
    %swap3A_89 = arith.constant 2 : index
    %swap3A_90 = arith.constant 0 : index
    %swap3A_91 = arith.constant 0 : index
    %swap3A_92 = vector.load %arg5[%swap3A_89, %swap3A_90, %swap3A_91] : memref<8x32x4096xf32, #tpu.memory_space<vmem>>, vector<1x32x4096xf32>
    %swap3A_93 = vector.shape_cast %swap3A_92 : vector<1x32x4096xf32> to vector<32x4096xf32>
    %swap3A_94 = vector.shape_cast %add3A_88 : vector<32x4096xf32> to vector<1x32x4096xf32>
    tpu.vector_store %arg5[%swap3A_89, %swap3A_90, %swap3A_91], %swap3A_94 {strides = array<i32>} : memref<8x32x4096xf32, #tpu.memory_space<vmem>>, vector<1x32x4096xf32>,
    %mul3A_95 = arith.constant 8 : i32
    %mul3A_96 = arith.muli %arg0, %mul3A_95 : i32
    %add3A_97 = arith.constant 3 : i32
    %add3A_98 = arith.addi %mul3A_96, %add3A_97 : i32
    %get3A_99 = arith.index_cast %add3A_98 : i32 to index
    %get3A_100 = memref.load %arg1[%get3A_99] : memref<64xf32, #tpu.memory_space<smem>>
    %mul3A_101 = arith.constant 8 : i32
    %mul3A_102 = arith.muli %arg0, %mul3A_101 : i32
    %add3A_103 = arith.constant 3 : i32
    %add3A_104 = arith.addi %mul3A_102, %add3A_103 : i32
    %get3A_105 = arith.index_cast %add3A_104 : i32 to index
    %get3A_106 = memref.load %arg2[%get3A_105] : memref<64xf32, #tpu.memory_space<smem>>
    %get3A_107 = arith.constant 3 : index
    %get3A_108 = arith.constant 0 : index
    %get3A_109 = arith.constant 0 : index
    %get3A_110 = vector.load %arg3[%get3A_107, %get3A_108, %get3A_109] : memref<8x32x4096xf32, #tpu.memory_space<vmem>>, vector<1x32x4096xf32>
    %get3A_111 = vector.shape_cast %get3A_110 : vector<1x32x4096xf32> to vector<32x4096xf32>
    %mul3A_112 = vector.broadcast %get3A_100 : f32 to vector<32x4096xf32>
    %mul3A_113 = arith.mulf %mul3A_112, %get3A_111 : vector<32x4096xf32>
    %get3A_114 = arith.constant 3 : index
    %get3A_115 = arith.constant 0 : index
    %get3A_116 = arith.constant 0 : index
    %get3A_117 = vector.load %arg4[%get3A_114, %get3A_115, %get3A_116] : memref<8x32x4096xf32, #tpu.memory_space<vmem>>, vector<1x32x4096xf32>
    %get3A_118 = vector.shape_cast %get3A_117 : vector<1x32x4096xf32> to vector<32x4096xf32>
    %mul3A_119 = vector.broadcast %get3A_106 : f32 to vector<32x4096xf32>
    %mul3A_120 = arith.mulf %mul3A_119, %get3A_118 : vector<32x4096xf32>
    %add3A_121 = arith.addf %mul3A_113, %mul3A_120 : vector<32x4096xf32>
    %swap3A_122 = arith.constant 3 : index
    %swap3A_123 = arith.constant 0 : index
    %swap3A_124 = arith.constant 0 : index
    %swap3A_125 = vector.load %arg5[%swap3A_122, %swap3A_123, %swap3A_124] : memref<8x32x4096xf32, #tpu.memory_space<vmem>>, vector<1x32x4096xf32>
    %swap3A_126 = vector.shape_cast %swap3A_125 : vector<1x32x4096xf32> to vector<32x4096xf32>
    %swap3A_127 = vector.shape_cast %add3A_121 : vector<32x4096xf32> to vector<1x32x4096xf32>
    tpu.vector_store %arg5[%swap3A_122, %swap3A_123, %swap3A_124], %swap3A_127 {strides = array<i32>} : memref<8x32x4096xf32, #tpu.memory_space<vmem>>, vector<1x32x4096xf32>,
    %mul3A_128 = arith.constant 8 : i32
    %mul3A_129 = arith.muli %arg0, %mul3A_128 : i32
    %add3A_130 = arith.constant 4 : i32
    %add3A_131 = arith.addi %mul3A_129, %add3A_130 : i32
    %get3A_132 = arith.index_cast %add3A_131 : i32 to index
    %get3A_133 = memref.load %arg1[%get3A_132] : memref<64xf32, #tpu.memory_space<smem>>
    %mul3A_134 = arith.constant 8 : i32
    %mul3A_135 = arith.muli %arg0, %mul3A_134 : i32
    %add3A_136 = arith.constant 4 : i32
    %add3A_137 = arith.addi %mul3A_135, %add3A_136 : i32
    %get3A_138 = arith.index_cast %add3A_137 : i32 to index
    %get3A_139 = memref.load %arg2[%get3A_138] : memref<64xf32, #tpu.memory_space<smem>>
    %get3A_140 = arith.constant 4 : index
    %get3A_141 = arith.constant 0 : index
    %get3A_142 = arith.constant 0 : index
    %get3A_143 = vector.load %arg3[%get3A_140, %get3A_141, %get3A_142] : memref<8x32x4096xf32, #tpu.memory_space<vmem>>, vector<1x32x4096xf32>
    %get3A_144 = vector.shape_cast %get3A_143 : vector<1x32x4096xf32> to vector<32x4096xf32>
    %mul3A_145 = vector.broadcast %get3A_133 : f32 to vector<32x4096xf32>
    %mul3A_146 = arith.mulf %mul3A_145, %get3A_144 : vector<32x4096xf32>
    %get3A_147 = arith.constant 4 : index
    %get3A_148 = arith.constant 0 : index
    %get3A_149 = arith.constant 0 : index
    %get3A_150 = vector.load %arg4[%get3A_147, %get3A_148, %get3A_149] : memref<8x32x4096xf32, #tpu.memory_space<vmem>>, vector<1x32x4096xf32>
    %get3A_151 = vector.shape_cast %get3A_150 : vector<1x32x4096xf32> to vector<32x4096xf32>
    %mul3A_152 = vector.broadcast %get3A_139 : f32 to vector<32x4096xf32>
    %mul3A_153 = arith.mulf %mul3A_152, %get3A_151 : vector<32x4096xf32>
    %add3A_154 = arith.addf %mul3A_146, %mul3A_153 : vector<32x4096xf32>
    %swap3A_155 = arith.constant 4 : index
    %swap3A_156 = arith.constant 0 : index
    %swap3A_157 = arith.constant 0 : index
    %swap3A_158 = vector.load %arg5[%swap3A_155, %swap3A_156, %swap3A_157] : memref<8x32x4096xf32, #tpu.memory_space<vmem>>, vector<1x32x4096xf32>
    %swap3A_159 = vector.shape_cast %swap3A_158 : vector<1x32x4096xf32> to vector<32x4096xf32>
    %swap3A_160 = vector.shape_cast %add3A_154 : vector<32x4096xf32> to vector<1x32x4096xf32>
    tpu.vector_store %arg5[%swap3A_155, %swap3A_156, %swap3A_157], %swap3A_160 {strides = array<i32>} : memref<8x32x4096xf32, #tpu.memory_space<vmem>>, vector<1x32x4096xf32>,
    %mul3A_161 = arith.constant 8 : i32
    %mul3A_162 = arith.muli %arg0, %mul3A_161 : i32
    %add3A_163 = arith.constant 5 : i32
    %add3A_164 = arith.addi %mul3A_162, %add3A_163 : i32
    %get3A_165 = arith.index_cast %add3A_164 : i32 to index
    %get3A_166 = memref.load %arg1[%get3A_165] : memref<64xf32, #tpu.memory_space<smem>>
    %mul3A_167 = arith.constant 8 : i32
    %mul3A_168 = arith.muli %arg0, %mul3A_167 : i32
    %add3A_169 = arith.constant 5 : i32
    %add3A_170 = arith.addi %mul3A_168, %add3A_169 : i32
    %get3A_171 = arith.index_cast %add3A_170 : i32 to index
    %get3A_172 = memref.load %arg2[%get3A_171] : memref<64xf32, #tpu.memory_space<smem>>
    %get3A_173 = arith.constant 5 : index
    %get3A_174 = arith.constant 0 : index
    %get3A_175 = arith.constant 0 : index
    %get3A_176 = vector.load %arg3[%get3A_173, %get3A_174, %get3A_175] : memref<8x32x4096xf32, #tpu.memory_space<vmem>>, vector<1x32x4096xf32>
    %get3A_177 = vector.shape_cast %get3A_176 : vector<1x32x4096xf32> to vector<32x4096xf32>
    %mul3A_178 = vector.broadcast %get3A_166 : f32 to vector<32x4096xf32>
    %mul3A_179 = arith.mulf %mul3A_178, %get3A_177 : vector<32x4096xf32>
    %get3A_180 = arith.constant 5 : index
    %get3A_181 = arith.constant 0 : index
    %get3A_182 = arith.constant 0 : index
    %get3A_183 = vector.load %arg4[%get3A_180, %get3A_181, %get3A_182] : memref<8x32x4096xf32, #tpu.memory_space<vmem>>, vector<1x32x4096xf32>
    %get3A_184 = vector.shape_cast %get3A_183 : vector<1x32x4096xf32> to vector<32x4096xf32>
    %mul3A_185 = vector.broadcast %get3A_172 : f32 to vector<32x4096xf32>
    %mul3A_186 = arith.mulf %mul3A_185, %get3A_184 : vector<32x4096xf32>
    %add3A_187 = arith.addf %mul3A_179, %mul3A_186 : vector<32x4096xf32>
    %swap3A_188 = arith.constant 5 : index
    %swap3A_189 = arith.constant 0 : index
    %swap3A_190 = arith.constant 0 : index
    %swap3A_191 = vector.load %arg5[%swap3A_188, %swap3A_189, %swap3A_190] : memref<8x32x4096xf32, #tpu.memory_space<vmem>>, vector<1x32x4096xf32>
    %swap3A_192 = vector.shape_cast %swap3A_191 : vector<1x32x4096xf32> to vector<32x4096xf32>
    %swap3A_193 = vector.shape_cast %add3A_187 : vector<32x4096xf32> to vector<1x32x4096xf32>
    tpu.vector_store %arg5[%swap3A_188, %swap3A_189, %swap3A_190], %swap3A_193 {strides = array<i32>} : memref<8x32x4096xf32, #tpu.memory_space<vmem>>, vector<1x32x4096xf32>,
    %mul3A_194 = arith.constant 8 : i32
    %mul3A_195 = arith.muli %arg0, %mul3A_194 : i32
    %add3A_196 = arith.constant 6 : i32
    %add3A_197 = arith.addi %mul3A_195, %add3A_196 : i32
    %get3A_198 = arith.index_cast %add3A_197 : i32 to index
    %get3A_199 = memref.load %arg1[%get3A_198] : memref<64xf32, #tpu.memory_space<smem>>
    %mul3A_200 = arith.constant 8 : i32
    %mul3A_201 = arith.muli %arg0, %mul3A_200 : i32
    %add3A_202 = arith.constant 6 : i32
    %add3A_203 = arith.addi %mul3A_201, %add3A_202 : i32
    %get3A_204 = arith.index_cast %add3A_203 : i32 to index
    %get3A_205 = memref.load %arg2[%get3A_204] : memref<64xf32, #tpu.memory_space<smem>>
    %get3A_206 = arith.constant 6 : index
    %get3A_207 = arith.constant 0 : index
    %get3A_208 = arith.constant 0 : index
    %get3A_209 = vector.load %arg3[%get3A_206, %get3A_207, %get3A_208] : memref<8x32x4096xf32, #tpu.memory_space<vmem>>, vector<1x32x4096xf32>
    %get3A_210 = vector.shape_cast %get3A_209 : vector<1x32x4096xf32> to vector<32x4096xf32>
    %mul3A_211 = vector.broadcast %get3A_199 : f32 to vector<32x4096xf32>
    %mul3A_212 = arith.mulf %mul3A_211, %get3A_210 : vector<32x4096xf32>
    %get3A_213 = arith.constant 6 : index
    %get3A_214 = arith.constant 0 : index
    %get3A_215 = arith.constant 0 : index
    %get3A_216 = vector.load %arg4[%get3A_213, %get3A_214, %get3A_215] : memref<8x32x4096xf32, #tpu.memory_space<vmem>>, vector<1x32x4096xf32>
    %get3A_217 = vector.shape_cast %get3A_216 : vector<1x32x4096xf32> to vector<32x4096xf32>
    %mul3A_218 = vector.broadcast %get3A_205 : f32 to vector<32x4096xf32>
    %mul3A_219 = arith.mulf %mul3A_218, %get3A_217 : vector<32x4096xf32>
    %add3A_220 = arith.addf %mul3A_212, %mul3A_219 : vector<32x4096xf32>
    %swap3A_221 = arith.constant 6 : index
    %swap3A_222 = arith.constant 0 : index
    %swap3A_223 = arith.constant 0 : index
    %swap3A_224 = vector.load %arg5[%swap3A_221, %swap3A_222, %swap3A_223] : memref<8x32x4096xf32, #tpu.memory_space<vmem>>, vector<1x32x4096xf32>
    %swap3A_225 = vector.shape_cast %swap3A_224 : vector<1x32x4096xf32> to vector<32x4096xf32>
    %swap3A_226 = vector.shape_cast %add3A_220 : vector<32x4096xf32> to vector<1x32x4096xf32>
    tpu.vector_store %arg5[%swap3A_221, %swap3A_222, %swap3A_223], %swap3A_226 {strides = array<i32>} : memref<8x32x4096xf32, #tpu.memory_space<vmem>>, vector<1x32x4096xf32>,
    %mul3A_227 = arith.constant 8 : i32
    %mul3A_228 = arith.muli %arg0, %mul3A_227 : i32
    %add3A_229 = arith.constant 7 : i32
    %add3A_230 = arith.addi %mul3A_228, %add3A_229 : i32
    %get3A_231 = arith.index_cast %add3A_230 : i32 to index
    %get3A_232 = memref.load %arg1[%get3A_231] : memref<64xf32, #tpu.memory_space<smem>>
    %mul3A_233 = arith.constant 8 : i32
    %mul3A_234 = arith.muli %arg0, %mul3A_233 : i32
    %add3A_235 = arith.constant 7 : i32
    %add3A_236 = arith.addi %mul3A_234, %add3A_235 : i32
    %get3A_237 = arith.index_cast %add3A_236 : i32 to index
    %get3A_238 = memref.load %arg2[%get3A_237] : memref<64xf32, #tpu.memory_space<smem>>
    %get3A_239 = arith.constant 7 : index
    %get3A_240 = arith.constant 0 : index
    %get3A_241 = arith.constant 0 : index
    %get3A_242 = vector.load %arg3[%get3A_239, %get3A_240, %get3A_241] : memref<8x32x4096xf32, #tpu.memory_space<vmem>>, vector<1x32x4096xf32>
    %get3A_243 = vector.shape_cast %get3A_242 : vector<1x32x4096xf32> to vector<32x4096xf32>
    %mul3A_244 = vector.broadcast %get3A_232 : f32 to vector<32x4096xf32>
    %mul3A_245 = arith.mulf %mul3A_244, %get3A_243 : vector<32x4096xf32>
    %get3A_246 = arith.constant 7 : index
    %get3A_247 = arith.constant 0 : index
    %get3A_248 = arith.constant 0 : index
    %get3A_249 = vector.load %arg4[%get3A_246, %get3A_247, %get3A_248] : memref<8x32x4096xf32, #tpu.memory_space<vmem>>, vector<1x32x4096xf32>
    %get3A_250 = vector.shape_cast %get3A_249 : vector<1x32x4096xf32> to vector<32x4096xf32>
    %mul3A_251 = vector.broadcast %get3A_238 : f32 to vector<32x4096xf32>
    %mul3A_252 = arith.mulf %mul3A_251, %get3A_250 : vector<32x4096xf32>
    %add3A_253 = arith.addf %mul3A_245, %mul3A_252 : vector<32x4096xf32>
    %swap3A_254 = arith.constant 7 : index
    %swap3A_255 = arith.constant 0 : index
    %swap3A_256 = arith.constant 0 : index
    %swap3A_257 = vector.load %arg5[%swap3A_254, %swap3A_255, %swap3A_256] : memref<8x32x4096xf32, #tpu.memory_space<vmem>>, vector<1x32x4096xf32>
    %swap3A_258 = vector.shape_cast %swap3A_257 : vector<1x32x4096xf32> to vector<32x4096xf32>
    %swap3A_259 = vector.shape_cast %add3A_253 : vector<32x4096xf32> to vector<1x32x4096xf32>
    tpu.vector_store %arg5[%swap3A_254, %swap3A_255, %swap3A_256], %swap3A_259 {strides = array<i32>} : memref<8x32x4096xf32, #tpu.memory_space<vmem>>, vector<1x32x4096xf32>,
    return
  }
  func.func @transform_0(%arg0: i32, %arg1: memref<64xf32, #tpu.memory_space<smem>>, %arg2: memref<64xf32, #tpu.memory_space<smem>>) -> (i32, i32, i32) {
    %c0_i32 = arith.constant 0 : i32
    %c0_i32_0 = arith.constant 0 : i32
    %c0_i32_1 = arith.constant 0 : i32
    return %arg0, %c0_i32, %c0_i32_0 : i32, i32, i32
  }
  func.func @transform_1(%arg0: i32, %arg1: memref<64xf32, #tpu.memory_space<smem>>, %arg2: memref<64xf32, #tpu.memory_space<smem>>) -> (i32, i32, i32) {
    %c0_i32 = arith.constant 0 : i32
    %c0_i32_0 = arith.constant 0 : i32
    %c0_i32_1 = arith.constant 0 : i32
    return %arg0, %c0_i32, %c0_i32_0 : i32, i32, i32
  }
  func.func @transform_2(%arg0: i32, %arg1: memref<64xf32, #tpu.memory_space<smem>>, %arg2: memref<64xf32, #tpu.memory_space<smem>>) -> (i32, i32, i32) {
    %c0_i32 = arith.constant 0 : i32
    %c0_i32_0 = arith.constant 0 : i32
    %c0_i32_1 = arith.constant 0 : i32
    return %arg0, %c0_i32, %c0_i32_0 : i32, i32, i32
  }
}

</mosaic_0001>

<sc_bundles>
// kernel: kernel.4.cloned.1.call-start
scs
__scs_entry_jumppad:
0x0: {  	(pc) =	sbr.rel $0x88, $3  }
0x1: {  	(tag) =	ssettag $0x0;
	lr =	simm.s32 $0x1  }
0x2: {  	[smem:$0x3F9C] =	sst lr;
	_ =	strace $0xD0000000  }
0x3: {  	_ = 	snop  }
0x4: {  	_ = 	snop  }
0x5: {  	_ = 	snop  }
0x6: {  	_ = 	snop  }
0x7: {  	_ = 	snop  }
__scs_overlays_trampoline_lowered:
0x8: {  	[smem:$0x3FAB] =	sst s0  }
0x9: {  	[smem:$0x3FAC] =	sst s1  }
0xa: {  	[smem:$0x3FAD] =	sst s2  }
0xb: {  	[smem:$0x3FAE] =	sst s3  }
0xc: {  	[smem:$0x3FAF] =	sst s4  }
0xd: {  	[smem:$0x3FB0] =	sst s5  }
0xe: {  	[smem:$0x3FB1] =	sst s6  }
0xf: {  	[smem:$0x3FB2] =	sst s7  }
0x10: {  	[smem:$0x3FB3] =	sst s8  }
0x11: {  	[smem:$0x3FB4] =	sst s9;
	s0 =	simm.s32 @!p0 $0x0  }
0x12: {  	s1 =	sld [smem:$0x3F9A];
	s0 =	simm.s32 @p0 $0x1  }
0x13: {  	[smem:$0x3FB5] =	sst s0;
	s0 =	simm.s32 @!p1 $0x0  }
0x14: {  	s2 =	sld [smem:$0x3F99];
	s0 =	simm.s32 @p1 $0x1  }
0x15: {  	[smem:$0x3FB6] =	sst s0;
	s0 =	simm.s32 @!p2 $0x0  }
0x16: {  	s3 =	sld [smem:$0x3FDB];
	s0 =	simm.s32 @p2 $0x1  }
0x17: {  	s4 =	simm.s32 $0x1BF5;
	[smem:$0x3FB8] =	sst s0  }
0x18: {  	s0 =	sld [smem:$0x3F9B];
	_ =	swait.ge [sflag:s4], $0x0  }
0x19: {  	s7 =	sld [smem:$0x3F9C]  }
0x1a: {  	s8 =	sadd.s32 $0xFFFFE003, lr  }
0x1b: {  	s9 =	sadd.s32 $0xFFFFFEF7, lr;
	s5 =	simm.s32 $0xFFFFFFFF;
	p2 =	slt.u32 s8, $0xFFFFF086  }
0x1c: {  	p1 =	slt.u32 s9, $0xF7A;
	s5 =	simm.s32 @!p2 $0x0  }
0x1d: {  	s5 =	simm.s32 @p1 $0x1;
	p0 =	seq.s32 s7, s2  }
0x1e: {  	s7 =	smul.u32 @!p0 $0xF7A, s2;
	p2 =	seq.s32 @!p0 s5, $0x0  }
0x1f: {  	s9 =	smul.u32 $0xF7A, s1;
	s8 =	simm.s32 @!p0 $0x1BF5;
	p2 =	por !p2, p0  }
0x20: {  	[sflag:s8] =	ssyncset.s32 @!p0 $0xFFFFF086;
	s6 =	sadd.s32 @!p0 s3, s7;
	s7 =	simm.s32 @!p0 $0x108  }
0x21: {  	s3 =	sadd.s32 s3, s9;
	s6 =	sadd.s32 @!p0 $0x88, s6;
	s7 =	simm.s32 @p2 $0x1082  }
0x22: {  	[simem:s7], [sflag:s8] =	dma.local @!p0 [hbm:s6], $0xF7A  }
0x23: {  	s9 =	sor.u32 $0xD0000000, s2;
	s6 =	simm.s32 $0x108;
	_ =	swait.ge @!p0 [sflag:s8], $0x0  }
0x24: {  	s3 =	sadd.s32 $0x88, s3;
	s6 =	simm.s32 @!p1 $0x1082;
	[sflag:s4] =	ssyncset.s32 $0xFFFFF086  }
0x25: {  	[simem:s6], [sflag:s4] =	dma.local [hbm:s3], $0xF7A  }
0x26: {  	[smem:$0x3F9C] =	sst s1;
	(tag) =	ssettag s2;
	_ =	strace s9  }
0x27: {  	s1 =	sld [smem:$0x3FAC]  }
0x28: {  	s2 =	sld [smem:$0x3FAD]  }
0x29: {  	s4 =	sld [smem:$0x3FAF]  }
0x2a: {  	p0 =	seq.s32 s5, $0x0;
	s5 =	sld [smem:$0x3FB0]  }
0x2b: {  	s6 =	sld [smem:$0x3FB1]  }
0x2c: {  	s7 =	sld [smem:$0x3FB2]  }
0x2d: {  	s3 =	simm.s32 $0x108;
	s8 =	sld [smem:$0x3FB3]  }
0x2e: {  	s3 =	simm.s32 @!p0 $0x1082;
	s9 =	sld [smem:$0x3FB4]  }
0x2f: {  	lr =	sadd.s32 s0, s3;
	s0 =	sld [smem:$0x3FAB]  }
0x30: {  	s3 =	sld [smem:$0x3FAE]  }
0x31: {  	[smem:$0x3FB7] =	sst s10  }
0x32: {  	s10 =	sld [smem:$0x3FB5];
	_ =	sdelay $0x3  }
0x33: {  	p0 =	seq.s32 s10, $0x1;
	s10 =	sld [smem:$0x3FB7];
	_ =	sdelay $0x3  }
0x34: {  	[smem:$0x3FB7] =	sst s10  }
0x35: {  	s10 =	sld [smem:$0x3FB6];
	_ =	sdelay $0x3  }
0x36: {  	p1 =	seq.s32 s10, $0x1;
	s10 =	sld [smem:$0x3FB7];
	_ =	sdelay $0x3  }
0x37: {  	[smem:$0x3FB7] =	sst s10  }
0x38: {  	s10 =	sld [smem:$0x3FB8]  }
0x39: {  	_ = 	snop;
	(pc) =	sbr.ind lr, $3  }
0x3a: {  	_ = 	snop  }
0x3b: {  	_ = 	snop  }
0x3c: {  	p2 =	seq.s32 s10, $0x1;
	s10 =	sld [smem:$0x3FB7]  }
0x3d: {  	_ =	shalt  }
0x3e: {  	_ =	shalt  }
0x3f: {  	_ =	shalt  }
0x40: {  	_ =	shalt  }
0x41: {  	_ =	shalt  }
0x42: {  	_ =	shalt  }
0x43: {  	_ =	shalt  }
0x44: {  	_ =	shalt  }
0x45: {  	_ =	shalt  }
0x46: {  	_ =	shalt  }
0x47: {  	_ =	shalt  }
0x48: {  	_ =	shalt  }
0x49: {  	_ =	shalt  }
0x4a: {  	_ =	shalt  }
0x4b: {  	_ =	shalt  }
0x4c: {  	_ =	shalt  }
0x4d: {  	_ =	shalt  }
0x4e: {  	_ =	shalt  }
0x4f: {  	_ =	shalt  }
0x50: {  	_ =	shalt  }
0x51: {  	_ =	shalt  }
0x52: {  	_ =	shalt  }
0x53: {  	_ =	shalt  }
0x54: {  	_ =	shalt  }
0x55: {  	_ =	shalt  }
0x56: {  	_ =	shalt  }
0x57: {  	_ =	shalt  }
0x58: {  	_ =	shalt  }
0x59: {  	_ =	shalt  }
0x5a: {  	_ =	shalt  }
0x5b: {  	_ =	shalt  }
0x5c: {  	_ =	shalt  }
0x5d: {  	_ =	shalt  }
0x5e: {  	_ =	shalt  }
0x5f: {  	_ =	shalt  }
0x60: {  	_ =	shalt  }
0x61: {  	_ =	shalt  }
0x62: {  	_ =	shalt  }
0x63: {  	_ =	shalt  }
0x64: {  	_ =	shalt  }
0x65: {  	_ =	shalt  }
0x66: {  	_ =	shalt  }
0x67: {  	_ =	shalt  }
0x68: {  	_ =	shalt  }
0x69: {  	_ =	shalt  }
0x6a: {  	_ =	shalt  }
0x6b: {  	_ =	shalt  }
0x6c: {  	_ =	shalt  }
0x6d: {  	_ =	shalt  }
0x6e: {  	_ =	shalt  }
0x6f: {  	_ =	shalt  }
0x70: {  	_ =	shalt  }
0x71: {  	_ =	shalt  }
0x72: {  	_ =	shalt  }
0x73: {  	_ =	shalt  }
0x74: {  	_ =	shalt  }
0x75: {  	_ =	shalt  }
0x76: {  	_ =	shalt  }
0x77: {  	_ =	shalt  }
0x78: {  	_ =	shalt  }
0x79: {  	_ =	shalt  }
0x7a: {  	_ =	shalt  }
0x7b: {  	_ =	shalt  }
0x7c: {  	_ =	shalt  }
0x7d: {  	_ =	shalt  }
0x7e: {  	_ =	shalt  }
0x7f: {  	_ =	shalt  }
0x80: {  	_ =	shalt  }
0x81: {  	_ =	shalt  }
0x82: {  	_ =	shalt  }
0x83: {  	_ =	shalt  }
0x84: {  	_ =	shalt  }
0x85: {  	_ =	shalt  }
0x86: {  	_ =	shalt  }
0x87: {  	_ =	shalt  }
.Lfunc_end0:
.L_simem_size_0:
called_computation_lowered:
.L_overlay_start_0:
0x88: {  	s2 =	sld [smem:$0x3FD9]  }
0x89: {  	s3 =	sld [smem:$0x3FFE];
	_ =	sdelay $0x1  }
0x8a: {  	s1 =	srdreg.scid  }
0x8b: {  	s0 =	sand.u32 $0x1, s1  }
0x8c: {  	s28 =	sshll.u32 s0, $0xA;
	s2 =	sadd.s32 s3, s2  }
0x8d: {  	s2 =	sadd.s32 s2, s28  }
0x8e: {  	[smem:$0x3FC3] =	sst s2  }
0x8f: {  	_ = 	snop  }
0x90: {  	s6 =	sld [smem:$0x3FC8]  }
0x91: {  	s5 =	sld [smem:$0x3FC6]  }
0x92: {  	s4 =	sld [smem:$0x3FC5]  }
0x93: {  	s2 =	sld [smem:$0x3FD0];
	(tm) =	ssettm $0x1  }
0x94: {  	s29 =	sld [smem:$0x3FFB];
	_ =	sdelay $0x3  }
0x95: {  	_ =	strace s29  }
0x96: {  	s3 =	sld [smem:$0x3FFC];
	_ =	sdelay $0x3  }
0x97: {  	_ =	strace s3  }
0x98: {  	s3 =	sld [smem:$0x3FFD];
	_ =	sdelay $0x3  }
0x99: {  	_ =	strace s3  }
0x9a: {  	s30 =	simm.s32 $0x1B8B;
	_ =	strace $0x8FFFFFFF  }
0x9b: {  	p0 =	seq.s32 s0, $0x1;
	_ =	swait.ge [sflag:s30], $0x1  }
.Ltmp0:
0x9c: {  	[sflag:s30] =	ssyncset.done $0x0;
	(pc) =	sbr.rel @p0 .LBB1_4-.Ltmp0, $3  }
0x9d: {  	s31 =	simm.s32 $0x1B8E;
	[sflag:s30] =	ssyncadd.s32 $0xFFFFFFFF  }
0x9e: {  	[smem:$0x3FD2] =	sst s31  }
0x9f: {  	s7 =	sld [smem:$0x3FFE];
	_ =	strace $0x80000046  }
0xa0: {  	s3 =	simm.s32 $0x9;
	s8 =	simm.s32 $0x10  }
0xa1: {  	[smem:s8], [sflag:s3] =	dma.local [hbm:s6], $0x10  }
0xa2: {  	_ =	swait.ge [sflag:s3], $0x10  }
0xa3: {  	[sflag:s3] =	ssyncset.done $0x0  }
0xa4: {  	[sflag:s3] =	ssyncadd.s32 $0xFFFFFFF0  }
0xa5: {  	s30 =	simm.s32 $0x90  }
0xa6: {  	[smem:s30], [sflag:s3] =	dma.local [hbm:s5], $0x80  }
0xa7: {  	_ =	swait.ge [sflag:s3], $0x80  }
0xa8: {  	[sflag:s3] =	ssyncset.done $0x0  }
0xa9: {  	[sflag:s3] =	ssyncadd.s32 $0xFFFFFF80  }
0xaa: {  	s31 =	simm.s32 $0x490  }
0xab: {  	[smem:s31], [sflag:s3] =	dma.local [hbm:s4], $0x80  }
0xac: {  	_ =	swait.ge [sflag:s3], $0x80  }
0xad: {  	s6 =	simm.s32 $0x4;
	[sflag:s3] =	ssyncset.done $0x0  }
0xae: {  	s5 =	simm.s32 $0x0;
	s4 =	sadd.s32 $0xC00, s7;
	[sflag:s3] =	ssyncadd.s32 $0xFFFFFF80  }
.LBB1_2:
0xaf: {  	p0 =	sne.s32 s6, $0xFC;
	s7 =	sld [smem:s5+$0x10];
	_ =	sdelay $0x3  }
0xb0: {  	s8 =	sld [smem:s7+$0x90];
	_ =	sdelay $0x2  }
0xb1: {  	s9 =	sadd.s32 $0x890, s5  }
0xb2: {  	[smem:s9] =	sst s8  }
0xb3: {  	s7 =	sld [smem:s7+$0x490]  }
.Ltmp1:
0xb4: {  	(pc) =	sbr.rel @p0 .LBB1_2-.Ltmp1, $3  }
0xb5: {  	_ = 	snop  }
0xb6: {  	s8 =	sadd.s32 $0x910, s5  }
0xb7: {  	s5 =	sshra.s32 s6, $0x2;
	s6 =	sadd.s32 $0x4, s6;
	[smem:s8] =	sst s7  }
0xb8: {  	s6 =	sld [smem:s5+$0x10];
	_ =	sdelay $0x3  }
0xb9: {  	s7 =	sld [smem:s6+$0x90];
	_ =	sdelay $0x2  }
0xba: {  	s8 =	sadd.s32 $0x890, s5  }
0xbb: {  	[smem:s8] =	sst s7  }
0xbc: {  	s6 =	sld [smem:s6+$0x490];
	_ =	sdelay $0x2  }
0xbd: {  	s28 =	sadd.s32 $0x910, s5  }
0xbe: {  	s29 =	simm.s32 $0x890;
	s30 =	simm.s32 $0x9;
	[smem:s28] =	sst s6  }
0xbf: {  	[hbm:s2], [sflag:s3] =	dma.local [smem:s29], $0x10  }
0xc0: {  	_ =	swait.ge [sflag:s30], $0x10  }
0xc1: {  	[sflag:s30] =	ssyncset.done $0x0  }
0xc2: {  	[sflag:s30] =	ssyncadd.s32 $0xFFFFFFF0  }
0xc3: {  	s31 =	simm.s32 $0x910  }
0xc4: {  	[hbm:s4], [sflag:s3] =	dma.local [smem:s31], $0x10  }
0xc5: {  	_ =	swait.ge [sflag:s30], $0x10  }
0xc6: {  	[sflag:s30] =	ssyncset.done $0x0  }
0xc7: {  	[sflag:s30] =	ssyncadd.s32 $0xFFFFFFF0  }
.LBB1_4:
0xc8: {  	_ =	strace $0x90000046  }
0xc9: {  	_ =	sfence  }
0xca: {  	s2 =	sld [smem:$0x0];
	_ =	sdelay $0x2  }
0xcb: {  	s3 =	sshll.u32 s1, $0xD;
	s31 =	sshrl.u32 s1, $0x2  }
0xcc: {  	s3 =	sand.u32 $0x4000, s3;
	s1 =	sadd.s32 s31, s2  }
0xcd: {  	s0 =	sor.u32 s3, s0;
	s1 =	sshll.u32 s1, $0x11  }
0xce: {  	s0 =	sor.u32 s1, s0  }
0xcf: {  	s0 =	sadd.s32 $0x8F2B, s0;
	(pc) =	sbr.abs _section_cstart, $3  }
0xd0: {  	[sflag:s0] =	ssyncadd.remote.s32 $0x1  }
0xd1: {  	_ =	strace $0x9FFFFFFF  }
0xd2: {  	(tm) =	ssettm $0x7FFFFFFF  }
0xd3: {  	_ =	shalt  }

</sc_bundles>
